<compile_context>
chip_gen: v7x
topology: tpu7x:2x2x1
jax: 0.10.2.dev20260603
libtpu: 0.0.44.dev20260713+nightly
codegen_flags: <defaults>
</compile_context>

<pallas_src>
import functools

import jax
import jax.numpy as jnp
from jax import lax
from jax.experimental import pallas as pl
from jax.experimental.pallas import tpu as pltpu
from jax.experimental.pallas import tpu_sc as plsc

N_TX = 10000
N_USER = 10000
D = 128
H = 64
E = 320000

W = 80
NC = 2
NS = 16
NW = NC * NS
EPW = E // NW
CH = 80
NCHUNK = EPW // CH
NB = 4
CPR = 1000
NCW = N_TX // CPR
ZR = 200
BR = 1000


def _pre_body(xu_ref, wl_ref, out_ref):
    mm = jnp.dot(xu_ref[...], wl_ref[...], preferred_element_type=jnp.float32)
    col = lax.broadcasted_iota(jnp.int32, (BR, W - H), 1)
    extra = jnp.where(col == 0, jnp.float32(1.0), jnp.float32(0.0))
    out_ref[...] = jnp.concatenate([mm, extra], axis=1)


def _pre(x_user, Wl):
    return pl.pallas_call(
        _pre_body,
        grid=(N_USER // BR,),
        in_specs=[
            pl.BlockSpec((BR, D), lambda i: (i, 0)),
            pl.BlockSpec((D, H), lambda i: (0, 0)),
        ],
        out_specs=pl.BlockSpec((BR, W), lambda i: (i, 0)),
        out_shape=jax.ShapeDtypeStruct((N_USER, W), jnp.float32),
    )(x_user, Wl)


def _seg_body(yaug_hbm, src_hbm, dst_hbm, out_hbm,
              src_v, dst_v, rows_v, zrow_v, acc_sh, gsem):
    cid = lax.axis_index("c")
    sid = lax.axis_index("s")
    wid = sid * NC + cid

    pltpu.sync_copy(src_hbm.at[wid], src_v)
    pltpu.sync_copy(dst_hbm.at[wid], dst_v)

    @pl.when(sid < NCW)
    def _():
        def zfill(r, c):
            for j in range(W // 16):
                zrow_v[r, pl.ds(j * 16, 16)] = jnp.zeros((16,), jnp.float32)
            return c
        lax.fori_loop(0, ZR, zfill, 0)

        def zcopy(t, c):
            pltpu.sync_copy(zrow_v, acc_sh.at[pl.ds(sid * CPR + t * ZR, ZR)])
            return c
        lax.fori_loop(0, CPR // ZR, zcopy, 0)
    plsc.subcore_barrier()

    def fire(j, s):
        pltpu.async_copy(yaug_hbm.at[src_v.at[j]], rows_v.at[s], gsem.at[s])

    for s in range(NB):
        fire(s, s)

    def body(j, c):
        s = lax.rem(j, NB)
        pltpu.make_async_copy(yaug_hbm.at[src_v.at[j]], rows_v.at[s],
                              gsem.at[s]).wait()
        pltpu.sync_copy(rows_v.at[s], acc_sh.at[dst_v.at[j]], add=True)
        jn = j + NB

        @pl.when(jn < NCHUNK)
        def _():
            fire(jn, s)
        return c
    lax.fori_loop(0, NCHUNK, body, 0)
    plsc.subcore_barrier()

    @pl.when(sid < NCW)
    def _():
        pltpu.sync_copy(acc_sh.at[pl.ds(sid * CPR, CPR)],
                        out_hbm.at[cid, pl.ds(sid * CPR, CPR)])


def _seg(yaug, src, dst):
    mesh = plsc.VectorSubcoreMesh(core_axis_name="c", subcore_axis_name="s")
    f = functools.partial(
        pl.kernel,
        mesh=mesh,
        compiler_params=pltpu.CompilerParams(use_tc_tiling_on_sc=False),
        out_type=jax.ShapeDtypeStruct((NC, N_TX, W), jnp.float32),
        scratch_types=[
            pltpu.VMEM((NCHUNK, CH), jnp.int32),
            pltpu.VMEM((NCHUNK, CH), jnp.int32),
            pltpu.VMEM((NB, CH, W), jnp.float32),
            pltpu.VMEM((ZR, W), jnp.float32),
            pltpu.VMEM_SHARED((N_TX, W), jnp.float32),
            pltpu.SemaphoreType.DMA((NB,)),
        ],
    )(_seg_body)
    return f(yaug, src.reshape(NW, NCHUNK, CH), dst.reshape(NW, NCHUNK, CH))


def _post_body(p_ref, x_ref, wr_ref, b_ref, wo_ref, bo_ref, h_ref, lg_ref):
    acc = p_ref[0] + p_ref[1]
    mean = acc[:, :H] / jnp.maximum(acc[:, H:H + 1], 1.0)
    z = jnp.dot(x_ref[...], wr_ref[...], preferred_element_type=jnp.float32)
    h = jnp.maximum(mean + z + b_ref[...], 0.0)
    h_ref[...] = h
    lg_ref[...] = jnp.sum(h * wo_ref[...], axis=1, keepdims=True) + bo_ref[...]


def _post(parts, x_tx, Wr, b, wo, bo):
    return pl.pallas_call(
        _post_body,
        grid=(N_TX // BR,),
        in_specs=[
            pl.BlockSpec((NC, BR, W), lambda i: (0, i, 0)),
            pl.BlockSpec((BR, D), lambda i: (i, 0)),
            pl.BlockSpec((D, H), lambda i: (0, 0)),
            pl.BlockSpec((1, H), lambda i: (0, 0)),
            pl.BlockSpec((1, H), lambda i: (0, 0)),
            pl.BlockSpec((1, 1), lambda i: (0, 0)),
        ],
        out_specs=[
            pl.BlockSpec((BR, H), lambda i: (i, 0)),
            pl.BlockSpec((BR, 1), lambda i: (i, 0)),
        ],
        out_shape=[
            jax.ShapeDtypeStruct((N_TX, H), jnp.float32),
            jax.ShapeDtypeStruct((N_TX, 1), jnp.float32),
        ],
    )(parts, x_tx, Wr, b, wo, bo)


def kernel(x_tx, x_user, ei_pays, ei_own, Wl_pays, Wr_pays, b_pays,
           Wl_own, Wr_own, b_own, W_out, b_out):
    yaug = _pre(x_user, Wl_pays)
    parts = _seg(yaug, ei_pays[0], ei_pays[1])
    h, lg = _post(parts, x_tx, Wr_pays,
                  b_pays.reshape(1, H), W_out.reshape(1, H),
                  b_out.reshape(1, 1))
    return (lg.reshape(N_TX), h)

# --- scband reference (transcript-rebuilt; emitter-appended) ---
"""Pipeline reference for scband-fraud-gnn-64759516889783 (READ-ONLY COPY).

The authoritative reference and input builder live on the scoring server;
editing this copy changes nothing except your own understanding.
"""

import jax, jax.numpy as jnp
import numpy as np

N_TX = 10000
N_USER = 10000
D = 128
H = 64
E = 320000


def setup_inputs(seed: int = 0) -> dict:
    key = jax.random.key(seed)
    ks = jax.random.split(key, 12)
    x_tx = jax.random.normal(ks[0], (N_TX, D), dtype=jnp.float32)
    x_user = jax.random.normal(ks[1], (N_USER, D), dtype=jnp.float32)
    ei_pays = jax.random.randint(ks[2], (2, E), 0, N_TX, dtype=jnp.int32)
    ei_own = jax.random.randint(ks[3], (2, E), 0, N_USER, dtype=jnp.int32)
    s = 1.0 / np.sqrt(D)
    Wl_pays = jax.random.uniform(ks[4], (D, H), jnp.float32, -s, s)
    Wr_pays = jax.random.uniform(ks[5], (D, H), jnp.float32, -s, s)
    b_pays = jnp.zeros((H,), jnp.float32)
    Wl_own = jax.random.uniform(ks[6], (D, H), jnp.float32, -s, s)
    Wr_own = jax.random.uniform(ks[7], (D, H), jnp.float32, -s, s)
    b_own = jnp.zeros((H,), jnp.float32)
    so = 1.0 / np.sqrt(H)
    W_out = jax.random.uniform(ks[8], (H, 1), jnp.float32, -so, so)
    b_out = jax.random.uniform(ks[9], (1,), jnp.float32, -so, so)
    return {
        "x_tx": x_tx, "x_user": x_user,
        "ei_pays": ei_pays, "ei_own": ei_own,
        "Wl_pays": Wl_pays, "Wr_pays": Wr_pays, "b_pays": b_pays,
        "Wl_own": Wl_own, "Wr_own": Wr_own, "b_own": b_own,
        "W_out": W_out, "b_out": b_out,
    }


def _sage_conv(x_src, x_dst, ei, Wl, Wr, b, num_dst):
    # PyG SAGEConv(aggr='mean', root_weight=True):
    # out[i] = lin_l(mean_{j in N(i)} x_src[j]) + lin_r(x_dst[i]) + bias
    src = ei[0]
    dst = ei[1]
    msg = jnp.take(x_src, src, axis=0)
    summed = jax.ops.segment_sum(msg, dst, num_segments=num_dst)
    cnt = jax.ops.segment_sum(jnp.ones((ei.shape[1],), x_src.dtype), dst, num_segments=num_dst)
    mean = summed / jnp.maximum(cnt, 1.0)[:, None]
    return mean @ Wl + x_dst @ Wr + b


def reference(x_tx, x_user, ei_pays, ei_own, Wl_pays, Wr_pays, b_pays, Wl_own, Wr_own, b_own, W_out, b_out):
    # HeteroConv: one SAGEConv per edge type; each dst type receives exactly one
    # relation here, so the 'mean' cross-relation aggregation is identity.
    tx_h = _sage_conv(x_user, x_tx, ei_pays, Wl_pays, Wr_pays, b_pays, N_TX)
    user_h = _sage_conv(x_tx, x_user, ei_own, Wl_own, Wr_own, b_own, N_USER)
    tx_h = jax.nn.relu(tx_h)
    user_h = jax.nn.relu(user_h)  # computed per x_dict relu; unused downstream
    logits = (tx_h @ W_out + b_out).squeeze(-1)
    return (logits, tx_h)

if __name__ == "__main__":
    import jax
    _d = setup_inputs()
    print(jax.jit(kernel)(*tuple(_d.values())))

</pallas_src>

<mosaic_0001>
#map = affine_map<(d0, d1) -> (0, 0)>
#map1 = affine_map<(d0, d1) -> (0, 0, 0)>
module attributes {stable_mosaic.version = 14 : i64} {
  func.func @_seg_body(%arg0: i32, %arg1: i32, %arg2: memref<10000x80xf32, #tpu.memory_space<hbm>>, %arg3: memref<32x125x80xi32, #tpu.memory_space<hbm>>, %arg4: memref<32x125x80xi32, #tpu.memory_space<hbm>>, %arg5: memref<2x10000x80xf32, #tpu.memory_space<hbm>>, %arg6: memref<125x80xi32, #tpu.memory_space<vmem>>, %arg7: memref<125x80xi32, #tpu.memory_space<vmem>>, %arg8: memref<4x80x80xf32, #tpu.memory_space<vmem>>, %arg9: memref<200x80xf32, #tpu.memory_space<vmem>>, %arg10: memref<10000x80xf32, #tpu.memory_space<vmem_shared>>, %arg11: memref<4x!tpu.dma_semaphore, #tpu.memory_space<semaphore_mem>>) attributes {dimension_semantics = [#tpu.dimension_semantics<core_parallel>, #tpu.dimension_semantics<subcore_parallel>], iteration_bounds = array<i64: 2, 16>, scalar_prefetch = 0 : i64, scratch_operands = 6 : i64, tpu.core_type = #tpu.core_type<sc_vector_subcore>, window_params = [{transform_indices = #map}, {transform_indices = #map1}, {transform_indices = #map1}, {transform_indices = #map1}]} {
    %mul3A = arith.constant 2 : i32
    %mul3A_0 = arith.muli %arg1, %mul3A : i32
    %add3A = arith.addi %mul3A_0, %arg0 : i32
    "tpu.region"() ({
      %run_scoped3A = tpu.sem_alloc : memref<!tpu.dma_semaphore, #tpu.memory_space<semaphore_mem>>
      %dma_start3A_73 = arith.constant 0 : i32
      %dma_start3A_74 = arith.constant 0 : i32
      %dma_start3A_75 = tpu.memref_slice %arg3[%add3A, %dma_start3A_73, %dma_start3A_74] : memref<32x125x80xi32, #tpu.memory_space<hbm>> -> memref<1x125x80xi32, #tpu.memory_space<hbm>>
      %dma_start3A_76 = tpu.memref_squeeze %dma_start3A_75 : memref<1x125x80xi32, #tpu.memory_space<hbm>> -> memref<125x80xi32, #tpu.memory_space<hbm>>
      %dma_start3A_77 = arith.constant 0 : i32
      %dma_start3A_78 = arith.constant 0 : i32
      %dma_start3A_79 = tpu.memref_slice %arg3[%add3A, %dma_start3A_77, %dma_start3A_78] : memref<32x125x80xi32, #tpu.memory_space<hbm>> -> memref<1x125x80xi32, #tpu.memory_space<hbm>>
      %dma_start3A_80 = tpu.memref_squeeze %dma_start3A_79 : memref<1x125x80xi32, #tpu.memory_space<hbm>> -> memref<125x80xi32, #tpu.memory_space<hbm>>
      tpu.enqueue_dma source(%dma_start3A_80 : memref<125x80xi32, #tpu.memory_space<hbm>>) target(%arg6 : memref<125x80xi32, #tpu.memory_space<vmem>>) target_semaphore(%run_scoped3A : memref<!tpu.dma_semaphore, #tpu.memory_space<semaphore_mem>>)
      %dma_wait3A = arith.constant 0 : i32
      %dma_wait3A_81 = arith.constant 0 : i32
      %dma_wait3A_82 = tpu.memref_slice %arg3[%add3A, %dma_wait3A, %dma_wait3A_81] : memref<32x125x80xi32, #tpu.memory_space<hbm>> -> memref<1x125x80xi32, #tpu.memory_space<hbm>>
      %dma_wait3A_83 = tpu.memref_squeeze %dma_wait3A_82 : memref<1x125x80xi32, #tpu.memory_space<hbm>> -> memref<125x80xi32, #tpu.memory_space<hbm>>
      %dma_wait3A_84 = arith.constant 0 : i32
      %dma_wait3A_85 = arith.constant 0 : i32
      %dma_wait3A_86 = tpu.memref_slice %arg3[%add3A, %dma_wait3A_84, %dma_wait3A_85] : memref<32x125x80xi32, #tpu.memory_space<hbm>> -> memref<1x125x80xi32, #tpu.memory_space<hbm>>
      %dma_wait3A_87 = tpu.memref_squeeze %dma_wait3A_86 : memref<1x125x80xi32, #tpu.memory_space<hbm>> -> memref<125x80xi32, #tpu.memory_space<hbm>>
      tpu.wait_dma2 semaphore(%run_scoped3A : memref<!tpu.dma_semaphore, #tpu.memory_space<semaphore_mem>>) src(%dma_wait3A_87 : memref<125x80xi32, #tpu.memory_space<hbm>>) dst(%arg6 : memref<125x80xi32, #tpu.memory_space<vmem>>)
      tpu.yield
    }) : () -> ()
    "tpu.region"() ({
      %run_scoped3A = tpu.sem_alloc : memref<!tpu.dma_semaphore, #tpu.memory_space<semaphore_mem>>
      %dma_start3A_73 = arith.constant 0 : i32
      %dma_start3A_74 = arith.constant 0 : i32
      %dma_start3A_75 = tpu.memref_slice %arg4[%add3A, %dma_start3A_73, %dma_start3A_74] : memref<32x125x80xi32, #tpu.memory_space<hbm>> -> memref<1x125x80xi32, #tpu.memory_space<hbm>>
      %dma_start3A_76 = tpu.memref_squeeze %dma_start3A_75 : memref<1x125x80xi32, #tpu.memory_space<hbm>> -> memref<125x80xi32, #tpu.memory_space<hbm>>
      %dma_start3A_77 = arith.constant 0 : i32
      %dma_start3A_78 = arith.constant 0 : i32
      %dma_start3A_79 = tpu.memref_slice %arg4[%add3A, %dma_start3A_77, %dma_start3A_78] : memref<32x125x80xi32, #tpu.memory_space<hbm>> -> memref<1x125x80xi32, #tpu.memory_space<hbm>>
      %dma_start3A_80 = tpu.memref_squeeze %dma_start3A_79 : memref<1x125x80xi32, #tpu.memory_space<hbm>> -> memref<125x80xi32, #tpu.memory_space<hbm>>
      tpu.enqueue_dma source(%dma_start3A_80 : memref<125x80xi32, #tpu.memory_space<hbm>>) target(%arg7 : memref<125x80xi32, #tpu.memory_space<vmem>>) target_semaphore(%run_scoped3A : memref<!tpu.dma_semaphore, #tpu.memory_space<semaphore_mem>>)
      %dma_wait3A = arith.constant 0 : i32
      %dma_wait3A_81 = arith.constant 0 : i32
      %dma_wait3A_82 = tpu.memref_slice %arg4[%add3A, %dma_wait3A, %dma_wait3A_81] : memref<32x125x80xi32, #tpu.memory_space<hbm>> -> memref<1x125x80xi32, #tpu.memory_space<hbm>>
      %dma_wait3A_83 = tpu.memref_squeeze %dma_wait3A_82 : memref<1x125x80xi32, #tpu.memory_space<hbm>> -> memref<125x80xi32, #tpu.memory_space<hbm>>
      %dma_wait3A_84 = arith.constant 0 : i32
      %dma_wait3A_85 = arith.constant 0 : i32
      %dma_wait3A_86 = tpu.memref_slice %arg4[%add3A, %dma_wait3A_84, %dma_wait3A_85] : memref<32x125x80xi32, #tpu.memory_space<hbm>> -> memref<1x125x80xi32, #tpu.memory_space<hbm>>
      %dma_wait3A_87 = tpu.memref_squeeze %dma_wait3A_86 : memref<1x125x80xi32, #tpu.memory_space<hbm>> -> memref<125x80xi32, #tpu.memory_space<hbm>>
      tpu.wait_dma2 semaphore(%run_scoped3A : memref<!tpu.dma_semaphore, #tpu.memory_space<semaphore_mem>>) src(%dma_wait3A_87 : memref<125x80xi32, #tpu.memory_space<hbm>>) dst(%arg7 : memref<125x80xi32, #tpu.memory_space<vmem>>)
      tpu.yield
    }) : () -> ()
    %lt3A = arith.constant 10 : i32
    %lt3A_1 = arith.cmpi slt, %arg1, %lt3A : i32
    %convert_element_type3A = arith.extui %lt3A_1 : i1 to i32
    %cond3A = arith.constant 0 : i32
    %cond3A_2 = arith.cmpi ne, %convert_element_type3A, %cond3A : i32
    scf.if %cond3A_2 {
      %scan3A_73 = arith.constant 0 : i32
      %scan3A_74 = arith.constant 0 : i32
      %scan3A_75 = arith.constant 200 : i32
      %scan3A_76 = arith.addi %scan3A_74, %scan3A_75 : i32
      %scan3A_77 = arith.constant 1 : i32
      scf.for %scan3A_85 = %scan3A_74 to %scan3A_76 step %scan3A_77  : i32 {
        %broadcast_in_dim3A = arith.constant 0.000000e+00 : f32
        %broadcast_in_dim3A_86 = vector.broadcast %broadcast_in_dim3A : f32 to vector<16xf32>
        %swap3A = arith.index_cast %scan3A_85 : i32 to index
        %swap3A_87 = arith.constant 0 : index
        %swap3A_88 = tpu.vector_load %arg9[%swap3A, %swap3A_87] {strides = array<i32>} : memref<200x80xf32, #tpu.memory_space<vmem>>, vector<1x16xf32>,
        %swap3A_89 = vector.shape_cast %swap3A_88 : vector<1x16xf32> to vector<16xf32>
        %swap3A_90 = vector.shape_cast %broadcast_in_dim3A_86 : vector<16xf32> to vector<1x16xf32>
        tpu.vector_store %arg9[%swap3A, %swap3A_87], %swap3A_90 {strides = array<i32>} : memref<200x80xf32, #tpu.memory_space<vmem>>, vector<1x16xf32>,
        %broadcast_in_dim3A_91 = arith.constant 0.000000e+00 : f32
        %broadcast_in_dim3A_92 = vector.broadcast %broadcast_in_dim3A_91 : f32 to vector<16xf32>
        %swap3A_93 = arith.index_cast %scan3A_85 : i32 to index
        %swap3A_94 = arith.constant 16 : index
        %swap3A_95 = tpu.vector_load %arg9[%swap3A_93, %swap3A_94] {strides = array<i32>} : memref<200x80xf32, #tpu.memory_space<vmem>>, vector<1x16xf32>,
        %swap3A_96 = vector.shape_cast %swap3A_95 : vector<1x16xf32> to vector<16xf32>
        %swap3A_97 = vector.shape_cast %broadcast_in_dim3A_92 : vector<16xf32> to vector<1x16xf32>
        tpu.vector_store %arg9[%swap3A_93, %swap3A_94], %swap3A_97 {strides = array<i32>} : memref<200x80xf32, #tpu.memory_space<vmem>>, vector<1x16xf32>,
        %broadcast_in_dim3A_98 = arith.constant 0.000000e+00 : f32
        %broadcast_in_dim3A_99 = vector.broadcast %broadcast_in_dim3A_98 : f32 to vector<16xf32>
        %swap3A_100 = arith.index_cast %scan3A_85 : i32 to index
        %swap3A_101 = arith.constant 32 : index
        %swap3A_102 = tpu.vector_load %arg9[%swap3A_100, %swap3A_101] {strides = array<i32>} : memref<200x80xf32, #tpu.memory_space<vmem>>, vector<1x16xf32>,
        %swap3A_103 = vector.shape_cast %swap3A_102 : vector<1x16xf32> to vector<16xf32>
        %swap3A_104 = vector.shape_cast %broadcast_in_dim3A_99 : vector<16xf32> to vector<1x16xf32>
        tpu.vector_store %arg9[%swap3A_100, %swap3A_101], %swap3A_104 {strides = array<i32>} : memref<200x80xf32, #tpu.memory_space<vmem>>, vector<1x16xf32>,
        %broadcast_in_dim3A_105 = arith.constant 0.000000e+00 : f32
        %broadcast_in_dim3A_106 = vector.broadcast %broadcast_in_dim3A_105 : f32 to vector<16xf32>
        %swap3A_107 = arith.index_cast %scan3A_85 : i32 to index
        %swap3A_108 = arith.constant 48 : index
        %swap3A_109 = tpu.vector_load %arg9[%swap3A_107, %swap3A_108] {strides = array<i32>} : memref<200x80xf32, #tpu.memory_space<vmem>>, vector<1x16xf32>,
        %swap3A_110 = vector.shape_cast %swap3A_109 : vector<1x16xf32> to vector<16xf32>
        %swap3A_111 = vector.shape_cast %broadcast_in_dim3A_106 : vector<16xf32> to vector<1x16xf32>
        tpu.vector_store %arg9[%swap3A_107, %swap3A_108], %swap3A_111 {strides = array<i32>} : memref<200x80xf32, #tpu.memory_space<vmem>>, vector<1x16xf32>,
        %broadcast_in_dim3A_112 = arith.constant 0.000000e+00 : f32
        %broadcast_in_dim3A_113 = vector.broadcast %broadcast_in_dim3A_112 : f32 to vector<16xf32>
        %swap3A_114 = arith.index_cast %scan3A_85 : i32 to index
        %swap3A_115 = arith.constant 64 : index
        %swap3A_116 = tpu.vector_load %arg9[%swap3A_114, %swap3A_115] {strides = array<i32>} : memref<200x80xf32, #tpu.memory_space<vmem>>, vector<1x16xf32>,
        %swap3A_117 = vector.shape_cast %swap3A_116 : vector<1x16xf32> to vector<16xf32>
        %swap3A_118 = vector.shape_cast %broadcast_in_dim3A_113 : vector<16xf32> to vector<1x16xf32>
        tpu.vector_store %arg9[%swap3A_114, %swap3A_115], %swap3A_118 {strides = array<i32>} : memref<200x80xf32, #tpu.memory_space<vmem>>, vector<1x16xf32>,
      }
      %scan3A_78 = arith.constant 200 : i32
      %scan3A_79 = arith.constant 0 : i32
      %scan3A_80 = arith.constant 0 : i32
      %scan3A_81 = arith.constant 5 : i32
      %scan3A_82 = arith.addi %scan3A_80, %scan3A_81 : i32
      %scan3A_83 = arith.constant 1 : i32
      scf.for %scan3A_85 = %scan3A_80 to %scan3A_82 step %scan3A_83  : i32 {
        %mul3A_86 = arith.constant 1000 : i32
        %mul3A_87 = arith.muli %arg1, %mul3A_86 : i32
        %mul3A_88 = arith.constant 200 : i32
        %mul3A_89 = arith.muli %scan3A_85, %mul3A_88 : i32
        %add3A_90 = arith.addi %mul3A_87, %mul3A_89 : i32
        "tpu.region"() ({
          %run_scoped3A = tpu.sem_alloc : memref<!tpu.dma_semaphore, #tpu.memory_space<semaphore_mem>>
          %dma_start3A_91 = arith.constant 0 : i32
          %dma_start3A_92 = tpu.memref_slice %arg10[%add3A_90, %dma_start3A_91] : memref<10000x80xf32, #tpu.memory_space<vmem_shared>> -> memref<200x80xf32, #tpu.memory_space<vmem_shared>>
          %dma_start3A_93 = arith.constant 0 : i32
          %dma_start3A_94 = tpu.memref_slice %arg10[%add3A_90, %dma_start3A_93] : memref<10000x80xf32, #tpu.memory_space<vmem_shared>> -> memref<200x80xf32, #tpu.memory_space<vmem_shared>>
          tpu.enqueue_dma source(%arg9 : memref<200x80xf32, #tpu.memory_space<vmem>>) target(%dma_start3A_94 : memref<200x80xf32, #tpu.memory_space<vmem_shared>>) target_semaphore(%run_scoped3A : memref<!tpu.dma_semaphore, #tpu.memory_space<semaphore_mem>>)
          %dma_wait3A = arith.constant 0 : i32
          %dma_wait3A_95 = tpu.memref_slice %arg10[%add3A_90, %dma_wait3A] : memref<10000x80xf32, #tpu.memory_space<vmem_shared>> -> memref<200x80xf32, #tpu.memory_space<vmem_shared>>
          %dma_wait3A_96 = arith.constant 0 : i32
          %dma_wait3A_97 = tpu.memref_slice %arg10[%add3A_90, %dma_wait3A_96] : memref<10000x80xf32, #tpu.memory_space<vmem_shared>> -> memref<200x80xf32, #tpu.memory_space<vmem_shared>>
          tpu.wait_dma2 semaphore(%run_scoped3A : memref<!tpu.dma_semaphore, #tpu.memory_space<semaphore_mem>>) src(%arg9 : memref<200x80xf32, #tpu.memory_space<vmem>>) dst(%dma_wait3A_97 : memref<200x80xf32, #tpu.memory_space<vmem_shared>>)
          tpu.yield
        }) : () -> ()
      }
      %scan3A_84 = arith.constant 5 : i32
    } else {
    }
    %barrier3A = arith.constant 0 : index
    tpu.barrier barrier_id(%barrier3A)
    %dma_start3A = arith.constant 0 : i32
    %dma_start3A_3 = arith.constant 0 : i32
    %dma_start3A_4 = arith.constant 0 : i32
    %dma_start3A_5 = arith.constant 0 : i32
    %dma_start3A_6 = arith.constant 0 : i32
    %dma_start3A_7 = tpu.memref_slice %arg8[%dma_start3A_3, %dma_start3A_5, %dma_start3A_6] : memref<4x80x80xf32, #tpu.memory_space<vmem>> -> memref<1x80x80xf32, #tpu.memory_space<vmem>>
    %dma_start3A_8 = tpu.memref_squeeze %dma_start3A_7 : memref<1x80x80xf32, #tpu.memory_space<vmem>> -> memref<80x80xf32, #tpu.memory_space<vmem>>
    %dma_start3A_9 = arith.constant 0 : i32
    %dma_start3A_10 = tpu.memref_slice %arg6[%dma_start3A, %dma_start3A_9] : memref<125x80xi32, #tpu.memory_space<vmem>> -> memref<1x80xi32, #tpu.memory_space<vmem>>
    %dma_start3A_11 = tpu.memref_squeeze %dma_start3A_10 : memref<1x80xi32, #tpu.memory_space<vmem>> -> memref<80xi32, #tpu.memory_space<vmem>>
    %dma_start3A_12 = arith.constant 0 : i32
    %dma_start3A_13 = arith.constant 0 : i32
    %dma_start3A_14 = tpu.memref_slice %arg2[%dma_start3A_12, %dma_start3A_13] : memref<10000x80xf32, #tpu.memory_space<hbm>> -> memref<10000x80xf32, #tpu.memory_space<hbm>>
    %dma_start3A_15 = tpu.memref_slice %arg11[%dma_start3A_4] : memref<4x!tpu.dma_semaphore, #tpu.memory_space<semaphore_mem>> -> memref<1x!tpu.dma_semaphore, #tpu.memory_space<semaphore_mem>>
    %dma_start3A_16 = tpu.memref_squeeze %dma_start3A_15 : memref<1x!tpu.dma_semaphore, #tpu.memory_space<semaphore_mem>> -> memref<!tpu.dma_semaphore, #tpu.memory_space<semaphore_mem>>
    tpu.enqueue_indirect_dma source(%dma_start3A_14 : memref<10000x80xf32, #tpu.memory_space<hbm>>) target(%dma_start3A_8 : memref<80x80xf32, #tpu.memory_space<vmem>>) offsets(%dma_start3A_11 : memref<80xi32, #tpu.memory_space<vmem>>) semaphore(%dma_start3A_16 : memref<!tpu.dma_semaphore, #tpu.memory_space<semaphore_mem>>)
    %dma_start3A_17 = arith.constant 1 : i32
    %dma_start3A_18 = arith.constant 1 : i32
    %dma_start3A_19 = arith.constant 1 : i32
    %dma_start3A_20 = arith.constant 0 : i32
    %dma_start3A_21 = arith.constant 0 : i32
    %dma_start3A_22 = tpu.memref_slice %arg8[%dma_start3A_18, %dma_start3A_20, %dma_start3A_21] : memref<4x80x80xf32, #tpu.memory_space<vmem>> -> memref<1x80x80xf32, #tpu.memory_space<vmem>>
    %dma_start3A_23 = tpu.memref_squeeze %dma_start3A_22 : memref<1x80x80xf32, #tpu.memory_space<vmem>> -> memref<80x80xf32, #tpu.memory_space<vmem>>
    %dma_start3A_24 = arith.constant 0 : i32
    %dma_start3A_25 = tpu.memref_slice %arg6[%dma_start3A_17, %dma_start3A_24] : memref<125x80xi32, #tpu.memory_space<vmem>> -> memref<1x80xi32, #tpu.memory_space<vmem>>
    %dma_start3A_26 = tpu.memref_squeeze %dma_start3A_25 : memref<1x80xi32, #tpu.memory_space<vmem>> -> memref<80xi32, #tpu.memory_space<vmem>>
    %dma_start3A_27 = arith.constant 0 : i32
    %dma_start3A_28 = arith.constant 0 : i32
    %dma_start3A_29 = tpu.memref_slice %arg2[%dma_start3A_27, %dma_start3A_28] : memref<10000x80xf32, #tpu.memory_space<hbm>> -> memref<10000x80xf32, #tpu.memory_space<hbm>>
    %dma_start3A_30 = tpu.memref_slice %arg11[%dma_start3A_19] : memref<4x!tpu.dma_semaphore, #tpu.memory_space<semaphore_mem>> -> memref<1x!tpu.dma_semaphore, #tpu.memory_space<semaphore_mem>>
    %dma_start3A_31 = tpu.memref_squeeze %dma_start3A_30 : memref<1x!tpu.dma_semaphore, #tpu.memory_space<semaphore_mem>> -> memref<!tpu.dma_semaphore, #tpu.memory_space<semaphore_mem>>
    tpu.enqueue_indirect_dma source(%dma_start3A_29 : memref<10000x80xf32, #tpu.memory_space<hbm>>) target(%dma_start3A_23 : memref<80x80xf32, #tpu.memory_space<vmem>>) offsets(%dma_start3A_26 : memref<80xi32, #tpu.memory_space<vmem>>) semaphore(%dma_start3A_31 : memref<!tpu.dma_semaphore, #tpu.memory_space<semaphore_mem>>)
    %dma_start3A_32 = arith.constant 2 : i32
    %dma_start3A_33 = arith.constant 2 : i32
    %dma_start3A_34 = arith.constant 2 : i32
    %dma_start3A_35 = arith.constant 0 : i32
    %dma_start3A_36 = arith.constant 0 : i32
    %dma_start3A_37 = tpu.memref_slice %arg8[%dma_start3A_33, %dma_start3A_35, %dma_start3A_36] : memref<4x80x80xf32, #tpu.memory_space<vmem>> -> memref<1x80x80xf32, #tpu.memory_space<vmem>>
    %dma_start3A_38 = tpu.memref_squeeze %dma_start3A_37 : memref<1x80x80xf32, #tpu.memory_space<vmem>> -> memref<80x80xf32, #tpu.memory_space<vmem>>
    %dma_start3A_39 = arith.constant 0 : i32
    %dma_start3A_40 = tpu.memref_slice %arg6[%dma_start3A_32, %dma_start3A_39] : memref<125x80xi32, #tpu.memory_space<vmem>> -> memref<1x80xi32, #tpu.memory_space<vmem>>
    %dma_start3A_41 = tpu.memref_squeeze %dma_start3A_40 : memref<1x80xi32, #tpu.memory_space<vmem>> -> memref<80xi32, #tpu.memory_space<vmem>>
    %dma_start3A_42 = arith.constant 0 : i32
    %dma_start3A_43 = arith.constant 0 : i32
    %dma_start3A_44 = tpu.memref_slice %arg2[%dma_start3A_42, %dma_start3A_43] : memref<10000x80xf32, #tpu.memory_space<hbm>> -> memref<10000x80xf32, #tpu.memory_space<hbm>>
    %dma_start3A_45 = tpu.memref_slice %arg11[%dma_start3A_34] : memref<4x!tpu.dma_semaphore, #tpu.memory_space<semaphore_mem>> -> memref<1x!tpu.dma_semaphore, #tpu.memory_space<semaphore_mem>>
    %dma_start3A_46 = tpu.memref_squeeze %dma_start3A_45 : memref<1x!tpu.dma_semaphore, #tpu.memory_space<semaphore_mem>> -> memref<!tpu.dma_semaphore, #tpu.memory_space<semaphore_mem>>
    tpu.enqueue_indirect_dma source(%dma_start3A_44 : memref<10000x80xf32, #tpu.memory_space<hbm>>) target(%dma_start3A_38 : memref<80x80xf32, #tpu.memory_space<vmem>>) offsets(%dma_start3A_41 : memref<80xi32, #tpu.memory_space<vmem>>) semaphore(%dma_start3A_46 : memref<!tpu.dma_semaphore, #tpu.memory_space<semaphore_mem>>)
    %dma_start3A_47 = arith.constant 3 : i32
    %dma_start3A_48 = arith.constant 3 : i32
    %dma_start3A_49 = arith.constant 3 : i32
    %dma_start3A_50 = arith.constant 0 : i32
    %dma_start3A_51 = arith.constant 0 : i32
    %dma_start3A_52 = tpu.memref_slice %arg8[%dma_start3A_48, %dma_start3A_50, %dma_start3A_51] : memref<4x80x80xf32, #tpu.memory_space<vmem>> -> memref<1x80x80xf32, #tpu.memory_space<vmem>>
    %dma_start3A_53 = tpu.memref_squeeze %dma_start3A_52 : memref<1x80x80xf32, #tpu.memory_space<vmem>> -> memref<80x80xf32, #tpu.memory_space<vmem>>
    %dma_start3A_54 = arith.constant 0 : i32
    %dma_start3A_55 = tpu.memref_slice %arg6[%dma_start3A_47, %dma_start3A_54] : memref<125x80xi32, #tpu.memory_space<vmem>> -> memref<1x80xi32, #tpu.memory_space<vmem>>
    %dma_start3A_56 = tpu.memref_squeeze %dma_start3A_55 : memref<1x80xi32, #tpu.memory_space<vmem>> -> memref<80xi32, #tpu.memory_space<vmem>>
    %dma_start3A_57 = arith.constant 0 : i32
    %dma_start3A_58 = arith.constant 0 : i32
    %dma_start3A_59 = tpu.memref_slice %arg2[%dma_start3A_57, %dma_start3A_58] : memref<10000x80xf32, #tpu.memory_space<hbm>> -> memref<10000x80xf32, #tpu.memory_space<hbm>>
    %dma_start3A_60 = tpu.memref_slice %arg11[%dma_start3A_49] : memref<4x!tpu.dma_semaphore, #tpu.memory_space<semaphore_mem>> -> memref<1x!tpu.dma_semaphore, #tpu.memory_space<semaphore_mem>>
    %dma_start3A_61 = tpu.memref_squeeze %dma_start3A_60 : memref<1x!tpu.dma_semaphore, #tpu.memory_space<semaphore_mem>> -> memref<!tpu.dma_semaphore, #tpu.memory_space<semaphore_mem>>
    tpu.enqueue_indirect_dma source(%dma_start3A_59 : memref<10000x80xf32, #tpu.memory_space<hbm>>) target(%dma_start3A_53 : memref<80x80xf32, #tpu.memory_space<vmem>>) offsets(%dma_start3A_56 : memref<80xi32, #tpu.memory_space<vmem>>) semaphore(%dma_start3A_61 : memref<!tpu.dma_semaphore, #tpu.memory_space<semaphore_mem>>)
    %scan3A = arith.constant 0 : i32
    %scan3A_62 = arith.constant 0 : i32
    %scan3A_63 = arith.constant 125 : i32
    %scan3A_64 = arith.addi %scan3A_62, %scan3A_63 : i32
    %scan3A_65 = arith.constant 1 : i32
    scf.for %scan3A_73 = %scan3A_62 to %scan3A_64 step %scan3A_65  : i32 {
      %rem3A = arith.constant 4 : i32
      %rem3A_74 = arith.remsi %scan3A_73, %rem3A : i32
      %dma_wait3A = arith.constant 0 : i32
      %dma_wait3A_75 = arith.constant 0 : i32
      %dma_wait3A_76 = tpu.memref_slice %arg8[%rem3A_74, %dma_wait3A, %dma_wait3A_75] : memref<4x80x80xf32, #tpu.memory_space<vmem>> -> memref<1x80x80xf32, #tpu.memory_space<vmem>>
      %dma_wait3A_77 = tpu.memref_squeeze %dma_wait3A_76 : memref<1x80x80xf32, #tpu.memory_space<vmem>> -> memref<80x80xf32, #tpu.memory_space<vmem>>
      %dma_wait3A_78 = arith.constant 0 : i32
      %dma_wait3A_79 = tpu.memref_slice %arg6[%scan3A_73, %dma_wait3A_78] : memref<125x80xi32, #tpu.memory_space<vmem>> -> memref<1x80xi32, #tpu.memory_space<vmem>>
      %dma_wait3A_80 = tpu.memref_squeeze %dma_wait3A_79 : memref<1x80xi32, #tpu.memory_space<vmem>> -> memref<80xi32, #tpu.memory_space<vmem>>
      %dma_wait3A_81 = arith.constant 0 : i32
      %dma_wait3A_82 = arith.constant 0 : i32
      %dma_wait3A_83 = tpu.memref_slice %arg2[%dma_wait3A_81, %dma_wait3A_82] : memref<10000x80xf32, #tpu.memory_space<hbm>> -> memref<10000x80xf32, #tpu.memory_space<hbm>>
      %dma_wait3A_84 = tpu.memref_slice %arg11[%rem3A_74] : memref<4x!tpu.dma_semaphore, #tpu.memory_space<semaphore_mem>> -> memref<1x!tpu.dma_semaphore, #tpu.memory_space<semaphore_mem>>
      %dma_wait3A_85 = tpu.memref_squeeze %dma_wait3A_84 : memref<1x!tpu.dma_semaphore, #tpu.memory_space<semaphore_mem>> -> memref<!tpu.dma_semaphore, #tpu.memory_space<semaphore_mem>>
      tpu.wait_indirect_dma semaphore(%dma_wait3A_85 : memref<!tpu.dma_semaphore, #tpu.memory_space<semaphore_mem>>) src(%dma_wait3A_83 : memref<10000x80xf32, #tpu.memory_space<hbm>>) dst(%dma_wait3A_77 : memref<80x80xf32, #tpu.memory_space<vmem>>)
      "tpu.region"() ({
        %run_scoped3A = tpu.sem_alloc : memref<!tpu.dma_semaphore, #tpu.memory_space<semaphore_mem>>
        %dma_start3A_93 = arith.constant 0 : i32
        %dma_start3A_94 = arith.constant 0 : i32
        %dma_start3A_95 = tpu.memref_slice %arg8[%rem3A_74, %dma_start3A_93, %dma_start3A_94] : memref<4x80x80xf32, #tpu.memory_space<vmem>> -> memref<1x80x80xf32, #tpu.memory_space<vmem>>
        %dma_start3A_96 = tpu.memref_squeeze %dma_start3A_95 : memref<1x80x80xf32, #tpu.memory_space<vmem>> -> memref<80x80xf32, #tpu.memory_space<vmem>>
        %dma_start3A_97 = arith.constant 0 : i32
        %dma_start3A_98 = tpu.memref_slice %arg7[%scan3A_73, %dma_start3A_97] : memref<125x80xi32, #tpu.memory_space<vmem>> -> memref<1x80xi32, #tpu.memory_space<vmem>>
        %dma_start3A_99 = tpu.memref_squeeze %dma_start3A_98 : memref<1x80xi32, #tpu.memory_space<vmem>> -> memref<80xi32, #tpu.memory_space<vmem>>
        %dma_start3A_100 = arith.constant 0 : i32
        %dma_start3A_101 = arith.constant 0 : i32
        %dma_start3A_102 = tpu.memref_slice %arg10[%dma_start3A_100, %dma_start3A_101] : memref<10000x80xf32, #tpu.memory_space<vmem_shared>> -> memref<10000x80xf32, #tpu.memory_space<vmem_shared>>
        tpu.enqueue_indirect_dma source(%dma_start3A_96 : memref<80x80xf32, #tpu.memory_space<vmem>>) target(%dma_start3A_102 : memref<10000x80xf32, #tpu.memory_space<vmem_shared>>) offsets(%dma_start3A_99 : memref<80xi32, #tpu.memory_space<vmem>>) semaphore(%run_scoped3A : memref<!tpu.dma_semaphore, #tpu.memory_space<semaphore_mem>>) {add = true}
        %dma_wait3A_103 = arith.constant 0 : i32
        %dma_wait3A_104 = arith.constant 0 : i32
        %dma_wait3A_105 = tpu.memref_slice %arg8[%rem3A_74, %dma_wait3A_103, %dma_wait3A_104] : memref<4x80x80xf32, #tpu.memory_space<vmem>> -> memref<1x80x80xf32, #tpu.memory_space<vmem>>
        %dma_wait3A_106 = tpu.memref_squeeze %dma_wait3A_105 : memref<1x80x80xf32, #tpu.memory_space<vmem>> -> memref<80x80xf32, #tpu.memory_space<vmem>>
        %dma_wait3A_107 = arith.constant 0 : i32
        %dma_wait3A_108 = tpu.memref_slice %arg7[%scan3A_73, %dma_wait3A_107] : memref<125x80xi32, #tpu.memory_space<vmem>> -> memref<1x80xi32, #tpu.memory_space<vmem>>
        %dma_wait3A_109 = tpu.memref_squeeze %dma_wait3A_108 : memref<1x80xi32, #tpu.memory_space<vmem>> -> memref<80xi32, #tpu.memory_space<vmem>>
        %dma_wait3A_110 = arith.constant 0 : i32
        %dma_wait3A_111 = arith.constant 0 : i32
        %dma_wait3A_112 = tpu.memref_slice %arg10[%dma_wait3A_110, %dma_wait3A_111] : memref<10000x80xf32, #tpu.memory_space<vmem_shared>> -> memref<10000x80xf32, #tpu.memory_space<vmem_shared>>
        tpu.wait_indirect_dma semaphore(%run_scoped3A : memref<!tpu.dma_semaphore, #tpu.memory_space<semaphore_mem>>) src(%dma_wait3A_106 : memref<80x80xf32, #tpu.memory_space<vmem>>) dst(%dma_wait3A_112 : memref<10000x80xf32, #tpu.memory_space<vmem_shared>>)
        tpu.yield
      }) : () -> ()
      %add3A_86 = arith.constant 4 : i32
      %add3A_87 = arith.addi %scan3A_73, %add3A_86 : i32
      %lt3A_88 = arith.constant 125 : i32
      %lt3A_89 = arith.cmpi slt, %add3A_87, %lt3A_88 : i32
      %convert_element_type3A_90 = arith.extui %lt3A_89 : i1 to i32
      %cond3A_91 = arith.constant 0 : i32
      %cond3A_92 = arith.cmpi ne, %convert_element_type3A_90, %cond3A_91 : i32
      scf.if %cond3A_92 {
        %dma_start3A_93 = arith.constant 0 : i32
        %dma_start3A_94 = arith.constant 0 : i32
        %dma_start3A_95 = tpu.memref_slice %arg8[%rem3A_74, %dma_start3A_93, %dma_start3A_94] : memref<4x80x80xf32, #tpu.memory_space<vmem>> -> memref<1x80x80xf32, #tpu.memory_space<vmem>>
        %dma_start3A_96 = tpu.memref_squeeze %dma_start3A_95 : memref<1x80x80xf32, #tpu.memory_space<vmem>> -> memref<80x80xf32, #tpu.memory_space<vmem>>
        %dma_start3A_97 = arith.constant 0 : i32
        %dma_start3A_98 = tpu.memref_slice %arg6[%add3A_87, %dma_start3A_97] : memref<125x80xi32, #tpu.memory_space<vmem>> -> memref<1x80xi32, #tpu.memory_space<vmem>>
        %dma_start3A_99 = tpu.memref_squeeze %dma_start3A_98 : memref<1x80xi32, #tpu.memory_space<vmem>> -> memref<80xi32, #tpu.memory_space<vmem>>
        %dma_start3A_100 = arith.constant 0 : i32
        %dma_start3A_101 = arith.constant 0 : i32
        %dma_start3A_102 = tpu.memref_slice %arg2[%dma_start3A_100, %dma_start3A_101] : memref<10000x80xf32, #tpu.memory_space<hbm>> -> memref<10000x80xf32, #tpu.memory_space<hbm>>
        %dma_start3A_103 = tpu.memref_slice %arg11[%rem3A_74] : memref<4x!tpu.dma_semaphore, #tpu.memory_space<semaphore_mem>> -> memref<1x!tpu.dma_semaphore, #tpu.memory_space<semaphore_mem>>
        %dma_start3A_104 = tpu.memref_squeeze %dma_start3A_103 : memref<1x!tpu.dma_semaphore, #tpu.memory_space<semaphore_mem>> -> memref<!tpu.dma_semaphore, #tpu.memory_space<semaphore_mem>>
        tpu.enqueue_indirect_dma source(%dma_start3A_102 : memref<10000x80xf32, #tpu.memory_space<hbm>>) target(%dma_start3A_96 : memref<80x80xf32, #tpu.memory_space<vmem>>) offsets(%dma_start3A_99 : memref<80xi32, #tpu.memory_space<vmem>>) semaphore(%dma_start3A_104 : memref<!tpu.dma_semaphore, #tpu.memory_space<semaphore_mem>>)
      } else {
      }
    }
    %scan3A_66 = arith.constant 125 : i32
    %barrier3A_67 = arith.constant 0 : index
    tpu.barrier barrier_id(%barrier3A_67)
    %lt3A_68 = arith.constant 10 : i32
    %lt3A_69 = arith.cmpi slt, %arg1, %lt3A_68 : i32
    %convert_element_type3A_70 = arith.extui %lt3A_69 : i1 to i32
    %cond3A_71 = arith.constant 0 : i32
    %cond3A_72 = arith.cmpi ne, %convert_element_type3A_70, %cond3A_71 : i32
    scf.if %cond3A_72 {
      %mul3A_73 = arith.constant 1000 : i32
      %mul3A_74 = arith.muli %arg1, %mul3A_73 : i32
      %mul3A_75 = arith.constant 1000 : i32
      %mul3A_76 = arith.muli %arg1, %mul3A_75 : i32
      "tpu.region"() ({
        %run_scoped3A = tpu.sem_alloc : memref<!tpu.dma_semaphore, #tpu.memory_space<semaphore_mem>>
        %dma_start3A_77 = arith.constant 0 : i32
        %dma_start3A_78 = tpu.memref_slice %arg5[%arg0, %mul3A_76, %dma_start3A_77] : memref<2x10000x80xf32, #tpu.memory_space<hbm>> -> memref<1x1000x80xf32, #tpu.memory_space<hbm>>
        %dma_start3A_79 = tpu.memref_squeeze %dma_start3A_78 : memref<1x1000x80xf32, #tpu.memory_space<hbm>> -> memref<1000x80xf32, #tpu.memory_space<hbm>>
        %dma_start3A_80 = arith.constant 0 : i32
        %dma_start3A_81 = tpu.memref_slice %arg10[%mul3A_74, %dma_start3A_80] : memref<10000x80xf32, #tpu.memory_space<vmem_shared>> -> memref<1000x80xf32, #tpu.memory_space<vmem_shared>>
        tpu.enqueue_dma source(%dma_start3A_81 : memref<1000x80xf32, #tpu.memory_space<vmem_shared>>) target(%dma_start3A_79 : memref<1000x80xf32, #tpu.memory_space<hbm>>) target_semaphore(%run_scoped3A : memref<!tpu.dma_semaphore, #tpu.memory_space<semaphore_mem>>)
        %dma_wait3A = arith.constant 0 : i32
        %dma_wait3A_82 = tpu.memref_slice %arg5[%arg0, %mul3A_76, %dma_wait3A] : memref<2x10000x80xf32, #tpu.memory_space<hbm>> -> memref<1x1000x80xf32, #tpu.memory_space<hbm>>
        %dma_wait3A_83 = tpu.memref_squeeze %dma_wait3A_82 : memref<1x1000x80xf32, #tpu.memory_space<hbm>> -> memref<1000x80xf32, #tpu.memory_space<hbm>>
        %dma_wait3A_84 = arith.constant 0 : i32
        %dma_wait3A_85 = tpu.memref_slice %arg10[%mul3A_74, %dma_wait3A_84] : memref<10000x80xf32, #tpu.memory_space<vmem_shared>> -> memref<1000x80xf32, #tpu.memory_space<vmem_shared>>
        tpu.wait_dma2 semaphore(%run_scoped3A : memref<!tpu.dma_semaphore, #tpu.memory_space<semaphore_mem>>) src(%dma_wait3A_85 : memref<1000x80xf32, #tpu.memory_space<vmem_shared>>) dst(%dma_wait3A_83 : memref<1000x80xf32, #tpu.memory_space<hbm>>)
        tpu.yield
      }) : () -> ()
    } else {
    }
    return
  }
}

module attributes {stable_mosaic.version = 14 : i64} {
  func.func @_pre_body(%arg0: i32, %arg1: memref<1000x128xf32, #tpu.memory_space<vmem>>, %arg2: memref<128x64xf32, #tpu.memory_space<vmem>>, %arg3: memref<1000x80xf32, #tpu.memory_space<vmem>>) attributes {dimension_semantics = [#tpu.dimension_semantics<arbitrary>], iteration_bounds = array<i64: 10>, scalar_prefetch = 0 : i64, scratch_operands = 0 : i64, tpu.core_type = #tpu.core_type<tc>, window_params = [{transform_indices = @transform_0, window_bounds = array<i64: 1000, 128>}, {pipeline_mode = #tpu.pipeline_mode<synchronous>, transform_indices = @transform_1, window_bounds = array<i64: 128, 64>}, {transform_indices = @transform_2, window_bounds = array<i64: 1000, 80>}]} {
    %get3A = arith.constant 0 : index
    %get3A_0 = arith.constant 0 : index
    %get3A_1 = vector.load %arg1[%get3A, %get3A_0] : memref<1000x128xf32, #tpu.memory_space<vmem>>, vector<1000x128xf32>
    %get3A_2 = arith.constant 0 : index
    %get3A_3 = arith.constant 0 : index
    %get3A_4 = vector.load %arg2[%get3A_2, %get3A_3] : memref<128x64xf32, #tpu.memory_space<vmem>>, vector<128x64xf32>
    %dot_general3A = arith.constant dense<0.000000e+00> : vector<1000x64xf32>
    %dot_general3A_5 = tpu.matmul %get3A_1, %get3A_4, %dot_general3A {dimension_numbers = #tpu.dot_dimension_numbers<[1], [0], [0], [1], [0, 0, 1, 1], [], []>, transpose_lhs_hint = false} : vector<1000x128xf32>, vector<128x64xf32>, vector<1000x64xf32> -> vector<1000x64xf32>
    %iota3A = tpu.iota {dimensions = array<i32: 1>} : vector<1000x16xi32>
    %eq3A = arith.constant 0 : i32
    %eq3A_6 = vector.broadcast %eq3A : i32 to vector<1000x16xi32>
    %eq3A_7 = arith.cmpi eq, %iota3A, %eq3A_6 : vector<1000x16xi32>
    %jit3A = arith.constant 1.000000e+00 : f32
    %jit3A_8 = arith.constant 0.000000e+00 : f32
    %broadcast_in_dim3A = vector.broadcast %jit3A : f32 to vector<1000x16xf32>
    %broadcast_in_dim3A_9 = vector.broadcast %jit3A_8 : f32 to vector<1000x16xf32>
    %select_n3A = arith.select %eq3A_7, %broadcast_in_dim3A, %broadcast_in_dim3A_9 : vector<1000x16xi1>, vector<1000x16xf32>
    %concatenate3A = tpu.concatenate %dot_general3A_5, %select_n3A in 1 : vector<1000x64xf32>, vector<1000x16xf32> -> vector<1000x80xf32>
    %swap3A = arith.constant 0 : index
    %swap3A_10 = arith.constant 0 : index
    %swap3A_11 = vector.load %arg3[%swap3A, %swap3A_10] : memref<1000x80xf32, #tpu.memory_space<vmem>>, vector<1000x80xf32>
    tpu.vector_store %arg3[%swap3A, %swap3A_10], %concatenate3A {strides = array<i32>} : memref<1000x80xf32, #tpu.memory_space<vmem>>, vector<1000x80xf32>,
    return
  }
  func.func @transform_0(%arg0: i32) -> (i32, i32) {
    %c0_i32 = arith.constant 0 : i32
    %c0_i32_0 = arith.constant 0 : i32
    return %arg0, %c0_i32 : i32, i32
  }
  func.func @transform_1(%arg0: i32) -> (i32, i32) {
    %c0_i32 = arith.constant 0 : i32
    %c0_i32_0 = arith.constant 0 : i32
    %c0_i32_1 = arith.constant 0 : i32
    return %c0_i32, %c0_i32_0 : i32, i32
  }
  func.func @transform_2(%arg0: i32) -> (i32, i32) {
    %c0_i32 = arith.constant 0 : i32
    %c0_i32_0 = arith.constant 0 : i32
    return %arg0, %c0_i32 : i32, i32
  }
}

module attributes {stable_mosaic.version = 14 : i64} {
  func.func @_post_body(%arg0: i32, %arg1: memref<2x1000x80xf32, #tpu.memory_space<vmem>>, %arg2: memref<1000x128xf32, #tpu.memory_space<vmem>>, %arg3: memref<128x64xf32, #tpu.memory_space<vmem>>, %arg4: memref<1x64xf32, #tpu.memory_space<vmem>>, %arg5: memref<1x64xf32, #tpu.memory_space<vmem>>, %arg6: memref<1x1xf32, #tpu.memory_space<vmem>>, %arg7: memref<1000x64xf32, #tpu.memory_space<vmem>>, %arg8: memref<1000x1xf32, #tpu.memory_space<vmem>>) attributes {dimension_semantics = [#tpu.dimension_semantics<arbitrary>], iteration_bounds = array<i64: 10>, scalar_prefetch = 0 : i64, scratch_operands = 0 : i64, tpu.core_type = #tpu.core_type<tc>, window_params = [{transform_indices = @transform_0, window_bounds = array<i64: 2, 1000, 80>}, {transform_indices = @transform_1, window_bounds = array<i64: 1000, 128>}, {pipeline_mode = #tpu.pipeline_mode<synchronous>, transform_indices = @transform_2, window_bounds = array<i64: 128, 64>}, {pipeline_mode = #tpu.pipeline_mode<synchronous>, transform_indices = @transform_3, window_bounds = array<i64: 1, 64>}, {pipeline_mode = #tpu.pipeline_mode<synchronous>, transform_indices = @transform_4, window_bounds = array<i64: 1, 64>}, {pipeline_mode = #tpu.pipeline_mode<synchronous>, transform_indices = @transform_5, window_bounds = array<i64: 1, 1>}, {transform_indices = @transform_6, window_bounds = array<i64: 1000, 64>}, {transform_indices = @transform_7, window_bounds = array<i64: 1000, 1>}]} {
    %get3A = arith.constant 0 : index
    %get3A_0 = arith.constant 0 : index
    %get3A_1 = arith.constant 0 : index
    %get3A_2 = vector.load %arg1[%get3A, %get3A_0, %get3A_1] : memref<2x1000x80xf32, #tpu.memory_space<vmem>>, vector<1x1000x80xf32>
    %get3A_3 = vector.shape_cast %get3A_2 : vector<1x1000x80xf32> to vector<1000x80xf32>
    %get3A_4 = arith.constant 1 : index
    %get3A_5 = arith.constant 0 : index
    %get3A_6 = arith.constant 0 : index
    %get3A_7 = vector.load %arg1[%get3A_4, %get3A_5, %get3A_6] : memref<2x1000x80xf32, #tpu.memory_space<vmem>>, vector<1x1000x80xf32>
    %get3A_8 = vector.shape_cast %get3A_7 : vector<1x1000x80xf32> to vector<1000x80xf32>
    %add3A = arith.addf %get3A_3, %get3A_8 : vector<1000x80xf32>
    %slice3A = vector.extract_strided_slice %add3A {offsets = [0, 0], sizes = [1000, 64], strides = [1, 1]} : vector<1000x80xf32> to vector<1000x64xf32>
    %slice3A_9 = vector.extract_strided_slice %add3A {offsets = [0, 64], sizes = [1000, 1], strides = [1, 1]} : vector<1000x80xf32> to vector<1000x1xf32>
    %max3A = arith.constant 1.000000e+00 : f32
    %max3A_10 = vector.broadcast %max3A : f32 to vector<1000x1xf32>
    %max3A_11 = arith.maximumf %slice3A_9, %max3A_10 : vector<1000x1xf32>
    %div3A = vector.broadcast %max3A_11 : vector<1000x1xf32> to vector<1000x64xf32>
    %div3A_12 = arith.divf %slice3A, %div3A : vector<1000x64xf32>
    %get3A_13 = arith.constant 0 : index
    %get3A_14 = arith.constant 0 : index
    %get3A_15 = vector.load %arg2[%get3A_13, %get3A_14] : memref<1000x128xf32, #tpu.memory_space<vmem>>, vector<1000x128xf32>
    %get3A_16 = arith.constant 0 : index
    %get3A_17 = arith.constant 0 : index
    %get3A_18 = vector.load %arg3[%get3A_16, %get3A_17] : memref<128x64xf32, #tpu.memory_space<vmem>>, vector<128x64xf32>
    %dot_general3A = arith.constant dense<0.000000e+00> : vector<1000x64xf32>
    %dot_general3A_19 = tpu.matmul %get3A_15, %get3A_18, %dot_general3A {dimension_numbers = #tpu.dot_dimension_numbers<[1], [0], [0], [1], [0, 0, 1, 1], [], []>, transpose_lhs_hint = false} : vector<1000x128xf32>, vector<128x64xf32>, vector<1000x64xf32> -> vector<1000x64xf32>
    %add3A_20 = arith.addf %div3A_12, %dot_general3A_19 : vector<1000x64xf32>
    %get3A_21 = arith.constant 0 : index
    %get3A_22 = arith.constant 0 : index
    %get3A_23 = vector.load %arg4[%get3A_21, %get3A_22] : memref<1x64xf32, #tpu.memory_space<vmem>>, vector<1x64xf32>
    %add3A_24 = vector.broadcast %get3A_23 : vector<1x64xf32> to vector<1000x64xf32>
    %add3A_25 = arith.addf %add3A_20, %add3A_24 : vector<1000x64xf32>
    %max3A_26 = arith.constant 0.000000e+00 : f32
    %max3A_27 = vector.broadcast %max3A_26 : f32 to vector<1000x64xf32>
    %max3A_28 = arith.maximumf %add3A_25, %max3A_27 : vector<1000x64xf32>
    %swap3A = arith.constant 0 : index
    %swap3A_29 = arith.constant 0 : index
    %swap3A_30 = vector.load %arg7[%swap3A, %swap3A_29] : memref<1000x64xf32, #tpu.memory_space<vmem>>, vector<1000x64xf32>
    tpu.vector_store %arg7[%swap3A, %swap3A_29], %max3A_28 {strides = array<i32>} : memref<1000x64xf32, #tpu.memory_space<vmem>>, vector<1000x64xf32>,
    %get3A_31 = arith.constant 0 : index
    %get3A_32 = arith.constant 0 : index
    %get3A_33 = vector.load %arg5[%get3A_31, %get3A_32] : memref<1x64xf32, #tpu.memory_space<vmem>>, vector<1x64xf32>
    %mul3A = vector.broadcast %get3A_33 : vector<1x64xf32> to vector<1000x64xf32>
    %mul3A_34 = arith.mulf %max3A_28, %mul3A : vector<1000x64xf32>
    %reduce_sum3A = arith.constant dense<0.000000e+00> : vector<1000xf32>
    %reduce_sum3A_35 = vector.multi_reduction <add>, %mul3A_34, %reduce_sum3A [1] : vector<1000x64xf32> to vector<1000xf32>
    %broadcast_in_dim3A = vector.shape_cast %reduce_sum3A_35 : vector<1000xf32> to vector<1000x1xf32>
    %get3A_36 = arith.constant 0 : index
    %get3A_37 = arith.constant 0 : index
    %get3A_38 = vector.load %arg6[%get3A_36, %get3A_37] : memref<1x1xf32, #tpu.memory_space<vmem>>, vector<1x1xf32>
    %add3A_39 = vector.broadcast %get3A_38 : vector<1x1xf32> to vector<1000x1xf32>
    %add3A_40 = arith.addf %broadcast_in_dim3A, %add3A_39 : vector<1000x1xf32>
    %swap3A_41 = arith.constant 0 : index
    %swap3A_42 = arith.constant 0 : index
    %swap3A_43 = vector.load %arg8[%swap3A_41, %swap3A_42] : memref<1000x1xf32, #tpu.memory_space<vmem>>, vector<1000x1xf32>
    tpu.vector_store %arg8[%swap3A_41, %swap3A_42], %add3A_40 {strides = array<i32>} : memref<1000x1xf32, #tpu.memory_space<vmem>>, vector<1000x1xf32>,
    return
  }
  func.func @transform_0(%arg0: i32) -> (i32, i32, i32) {
    %c0_i32 = arith.constant 0 : i32
    %c0_i32_0 = arith.constant 0 : i32
    %c0_i32_1 = arith.constant 0 : i32
    return %c0_i32, %arg0, %c0_i32_0 : i32, i32, i32
  }
  func.func @transform_1(%arg0: i32) -> (i32, i32) {
    %c0_i32 = arith.constant 0 : i32
    %c0_i32_0 = arith.constant 0 : i32
    return %arg0, %c0_i32 : i32, i32
  }
  func.func @transform_2(%arg0: i32) -> (i32, i32) {
    %c0_i32 = arith.constant 0 : i32
    %c0_i32_0 = arith.constant 0 : i32
    %c0_i32_1 = arith.constant 0 : i32
    return %c0_i32, %c0_i32_0 : i32, i32
  }
  func.func @transform_3(%arg0: i32) -> (i32, i32) {
    %c0_i32 = arith.constant 0 : i32
    %c0_i32_0 = arith.constant 0 : i32
    %c0_i32_1 = arith.constant 0 : i32
    return %c0_i32, %c0_i32_0 : i32, i32
  }
  func.func @transform_4(%arg0: i32) -> (i32, i32) {
    %c0_i32 = arith.constant 0 : i32
    %c0_i32_0 = arith.constant 0 : i32
    %c0_i32_1 = arith.constant 0 : i32
    return %c0_i32, %c0_i32_0 : i32, i32
  }
  func.func @transform_5(%arg0: i32) -> (i32, i32) {
    %c0_i32 = arith.constant 0 : i32
    %c0_i32_0 = arith.constant 0 : i32
    %c0_i32_1 = arith.constant 0 : i32
    return %c0_i32, %c0_i32_0 : i32, i32
  }
  func.func @transform_6(%arg0: i32) -> (i32, i32) {
    %c0_i32 = arith.constant 0 : i32
    %c0_i32_0 = arith.constant 0 : i32
    return %arg0, %c0_i32 : i32, i32
  }
  func.func @transform_7(%arg0: i32) -> (i32, i32) {
    %c0_i32 = arith.constant 0 : i32
    %c0_i32_0 = arith.constant 0 : i32
    return %arg0, %c0_i32 : i32, i32
  }
}

</mosaic_0001>

<sc_bundles>
// kernel: kernel.5.cloned.1.call-start
scs
__scs_entry_jumppad:
0x0: {  	(pc) =	sbr.rel $0x88, $3  }
0x1: {  	(tag) =	ssettag $0x0;
	lr =	simm.s32 $0x1  }
0x2: {  	[smem:$0x3F99] =	sst lr;
	_ =	strace $0xD0000000  }
0x3: {  	_ = 	snop  }
0x4: {  	_ = 	snop  }
0x5: {  	_ = 	snop  }
0x6: {  	_ = 	snop  }
0x7: {  	_ = 	snop  }
__scs_overlays_trampoline_lowered:
0x8: {  	[smem:$0x3FA8] =	sst s0  }
0x9: {  	[smem:$0x3FA9] =	sst s1  }
0xa: {  	[smem:$0x3FAA] =	sst s2  }
0xb: {  	[smem:$0x3FAB] =	sst s3  }
0xc: {  	[smem:$0x3FAC] =	sst s4  }
0xd: {  	[smem:$0x3FAD] =	sst s5  }
0xe: {  	[smem:$0x3FAE] =	sst s6  }
0xf: {  	[smem:$0x3FAF] =	sst s7  }
0x10: {  	[smem:$0x3FB0] =	sst s8  }
0x11: {  	[smem:$0x3FB1] =	sst s9;
	s0 =	simm.s32 @!p0 $0x0  }
0x12: {  	s1 =	sld [smem:$0x3F97];
	s0 =	simm.s32 @p0 $0x1  }
0x13: {  	[smem:$0x3FB2] =	sst s0;
	s0 =	simm.s32 @!p1 $0x0  }
0x14: {  	s2 =	sld [smem:$0x3F96];
	s0 =	simm.s32 @p1 $0x1  }
0x15: {  	[smem:$0x3FB3] =	sst s0;
	s0 =	simm.s32 @!p2 $0x0  }
0x16: {  	s3 =	sld [smem:$0x3FDB];
	s0 =	simm.s32 @p2 $0x1  }
0x17: {  	s4 =	simm.s32 $0x1BF5;
	[smem:$0x3FB5] =	sst s0  }
0x18: {  	s0 =	sld [smem:$0x3F98];
	_ =	swait.ge [sflag:s4], $0x0  }
0x19: {  	s7 =	sld [smem:$0x3F99]  }
0x1a: {  	s8 =	sadd.s32 $0xFFFFE003, lr  }
0x1b: {  	s9 =	sadd.s32 $0xFFFFFEF7, lr;
	s5 =	simm.s32 $0xFFFFFFFF;
	p2 =	slt.u32 s8, $0xFFFFF086  }
0x1c: {  	p1 =	slt.u32 s9, $0xF7A;
	s5 =	simm.s32 @!p2 $0x0  }
0x1d: {  	s5 =	simm.s32 @p1 $0x1;
	p0 =	seq.s32 s7, s2  }
0x1e: {  	s7 =	smul.u32 @!p0 $0xF7A, s2;
	p2 =	seq.s32 @!p0 s5, $0x0  }
0x1f: {  	s9 =	smul.u32 $0xF7A, s1;
	s8 =	simm.s32 @!p0 $0x1BF5;
	p2 =	por !p2, p0  }
0x20: {  	[sflag:s8] =	ssyncset.s32 @!p0 $0xFFFFF086;
	s6 =	sadd.s32 @!p0 s3, s7;
	s7 =	simm.s32 @!p0 $0x108  }
0x21: {  	s3 =	sadd.s32 s3, s9;
	s6 =	sadd.s32 @!p0 $0x88, s6;
	s7 =	simm.s32 @p2 $0x1082  }
0x22: {  	[simem:s7], [sflag:s8] =	dma.local @!p0 [hbm:s6], $0xF7A  }
0x23: {  	s9 =	sor.u32 $0xD0000000, s2;
	s6 =	simm.s32 $0x108;
	_ =	swait.ge @!p0 [sflag:s8], $0x0  }
0x24: {  	s3 =	sadd.s32 $0x88, s3;
	s6 =	simm.s32 @!p1 $0x1082;
	[sflag:s4] =	ssyncset.s32 $0xFFFFF086  }
0x25: {  	[simem:s6], [sflag:s4] =	dma.local [hbm:s3], $0xF7A  }
0x26: {  	[smem:$0x3F99] =	sst s1;
	(tag) =	ssettag s2;
	_ =	strace s9  }
0x27: {  	s1 =	sld [smem:$0x3FA9]  }
0x28: {  	s2 =	sld [smem:$0x3FAA]  }
0x29: {  	s4 =	sld [smem:$0x3FAC]  }
0x2a: {  	p0 =	seq.s32 s5, $0x0;
	s5 =	sld [smem:$0x3FAD]  }
0x2b: {  	s6 =	sld [smem:$0x3FAE]  }
0x2c: {  	s7 =	sld [smem:$0x3FAF]  }
0x2d: {  	s3 =	simm.s32 $0x108;
	s8 =	sld [smem:$0x3FB0]  }
0x2e: {  	s3 =	simm.s32 @!p0 $0x1082;
	s9 =	sld [smem:$0x3FB1]  }
0x2f: {  	lr =	sadd.s32 s0, s3;
	s0 =	sld [smem:$0x3FA8]  }
0x30: {  	s3 =	sld [smem:$0x3FAB]  }
0x31: {  	[smem:$0x3FB4] =	sst s10  }
0x32: {  	s10 =	sld [smem:$0x3FB2];
	_ =	sdelay $0x3  }
0x33: {  	p0 =	seq.s32 s10, $0x1;
	s10 =	sld [smem:$0x3FB4];
	_ =	sdelay $0x3  }
0x34: {  	[smem:$0x3FB4] =	sst s10  }
0x35: {  	s10 =	sld [smem:$0x3FB3];
	_ =	sdelay $0x3  }
0x36: {  	p1 =	seq.s32 s10, $0x1;
	s10 =	sld [smem:$0x3FB4];
	_ =	sdelay $0x3  }
0x37: {  	[smem:$0x3FB4] =	sst s10  }
0x38: {  	s10 =	sld [smem:$0x3FB5]  }
0x39: {  	_ = 	snop;
	(pc) =	sbr.ind lr, $3  }
0x3a: {  	_ = 	snop  }
0x3b: {  	_ = 	snop  }
0x3c: {  	p2 =	seq.s32 s10, $0x1;
	s10 =	sld [smem:$0x3FB4]  }
0x3d: {  	_ =	shalt  }
0x3e: {  	_ =	shalt  }
0x3f: {  	_ =	shalt  }
0x40: {  	_ =	shalt  }
0x41: {  	_ =	shalt  }
0x42: {  	_ =	shalt  }
0x43: {  	_ =	shalt  }
0x44: {  	_ =	shalt  }
0x45: {  	_ =	shalt  }
0x46: {  	_ =	shalt  }
0x47: {  	_ =	shalt  }
0x48: {  	_ =	shalt  }
0x49: {  	_ =	shalt  }
0x4a: {  	_ =	shalt  }
0x4b: {  	_ =	shalt  }
0x4c: {  	_ =	shalt  }
0x4d: {  	_ =	shalt  }
0x4e: {  	_ =	shalt  }
0x4f: {  	_ =	shalt  }
0x50: {  	_ =	shalt  }
0x51: {  	_ =	shalt  }
0x52: {  	_ =	shalt  }
0x53: {  	_ =	shalt  }
0x54: {  	_ =	shalt  }
0x55: {  	_ =	shalt  }
0x56: {  	_ =	shalt  }
0x57: {  	_ =	shalt  }
0x58: {  	_ =	shalt  }
0x59: {  	_ =	shalt  }
0x5a: {  	_ =	shalt  }
0x5b: {  	_ =	shalt  }
0x5c: {  	_ =	shalt  }
0x5d: {  	_ =	shalt  }
0x5e: {  	_ =	shalt  }
0x5f: {  	_ =	shalt  }
0x60: {  	_ =	shalt  }
0x61: {  	_ =	shalt  }
0x62: {  	_ =	shalt  }
0x63: {  	_ =	shalt  }
0x64: {  	_ =	shalt  }
0x65: {  	_ =	shalt  }
0x66: {  	_ =	shalt  }
0x67: {  	_ =	shalt  }
0x68: {  	_ =	shalt  }
0x69: {  	_ =	shalt  }
0x6a: {  	_ =	shalt  }
0x6b: {  	_ =	shalt  }
0x6c: {  	_ =	shalt  }
0x6d: {  	_ =	shalt  }
0x6e: {  	_ =	shalt  }
0x6f: {  	_ =	shalt  }
0x70: {  	_ =	shalt  }
0x71: {  	_ =	shalt  }
0x72: {  	_ =	shalt  }
0x73: {  	_ =	shalt  }
0x74: {  	_ =	shalt  }
0x75: {  	_ =	shalt  }
0x76: {  	_ =	shalt  }
0x77: {  	_ =	shalt  }
0x78: {  	_ =	shalt  }
0x79: {  	_ =	shalt  }
0x7a: {  	_ =	shalt  }
0x7b: {  	_ =	shalt  }
0x7c: {  	_ =	shalt  }
0x7d: {  	_ =	shalt  }
0x7e: {  	_ =	shalt  }
0x7f: {  	_ =	shalt  }
0x80: {  	_ =	shalt  }
0x81: {  	_ =	shalt  }
0x82: {  	_ =	shalt  }
0x83: {  	_ =	shalt  }
0x84: {  	_ =	shalt  }
0x85: {  	_ =	shalt  }
0x86: {  	_ =	shalt  }
0x87: {  	_ =	shalt  }
.Lfunc_end0:
.L_simem_size_0:
called_computation_lowered:
.L_overlay_start_0:
0x88: {  	s2 =	sld [smem:$0x3FD9]  }
0x89: {  	s3 =	sld [smem:$0x3FFE];
	_ =	sdelay $0x1  }
0x8a: {  	s1 =	srdreg.scid  }
0x8b: {  	s0 =	sand.u32 $0x1, s1  }
0x8c: {  	s14 =	sshll.u32 s0, $0xA;
	s2 =	sadd.s32 s3, s2  }
0x8d: {  	s2 =	sadd.s32 s2, s14  }
0x8e: {  	[smem:$0x3FC0] =	sst s2  }
0x8f: {  	_ = 	snop  }
0x90: {  	s2 =	sld [smem:$0x3FD0];
	_ =	sdelay $0x2  }
0x91: {  	s15 =	simm.s32 $0xA;
	s4 =	simm.s32 $0x10  }
0x92: {  	[smem:s4], [sflag:s15] =	dma.local [hbm:s2], $0x1  }
0x93: {  	_ =	swait.eq [sflag:s15], $0x1  }
0x94: {  	[sflag:s15] =	ssyncset.done $0x0  }
0x95: {  	[sflag:s15] =	ssyncadd.s32 $0xFFFFFFFF  }
0x96: {  	s16 =	sld [smem:$0x11];
	(tm) =	ssettm $0x1  }
0x97: {  	s17 =	sld [smem:$0x3FFB];
	_ =	sdelay $0x3  }
0x98: {  	_ =	strace s17  }
0x99: {  	s3 =	sld [smem:$0x3FFC];
	_ =	sdelay $0x3  }
0x9a: {  	_ =	strace s3  }
0x9b: {  	s3 =	sld [smem:$0x3FFD];
	_ =	sdelay $0x3  }
0x9c: {  	_ =	strace s3  }
0x9d: {  	_ =	strace $0x8FFFFFFF  }
0x9e: {  	s18 =	sld [smem:$0x3FDB];
	_ =	sdelay $0x1  }
0x9f: {  	s19 =	simm.s32 $_scs_section_size  }
0xa0: {  	s5 =	simm.s32 $_size__tile_overlayer_lowered;
	s6 =	simm.s32 $_tile_overlayer_lowered  }
0xa1: {  	s22 =	simm.s32 $0x1BFF;
	s21 =	sshll.u32 s6, $0x1;
	s3 =	sadd.s32 s19, s18  }
0xa2: {  	s7 =	simm.s32 $0x0;
	s20 =	sshll.u32 s5, $0x1;
	s5 =	sadd.s32 s21, s3  }
0xa3: {  	[timem:s7], [sflag:s22] =	dma.local [hbm:s5], s20  }
0xa4: {  	_ =	swait.ge [sflag:s22], s20  }
0xa5: {  	s4 =	ssub.s32 $0x0, s20;
	[sflag:s22] =	ssyncset.done $0x0  }
0xa6: {  	[sflag:s22] =	ssyncadd.s32 s4;
	_ =	sdelay $0x1  }
0xa7: {  	s23 =	simm.s32 $0x1B8B  }
0xa8: {  	_ =	swait.ge [sflag:s23], $0x1  }
0xa9: {  	[sflag:s23] =	ssyncset.done $0x0  }
0xaa: {  	s25 =	simm.s32 $0x1B8E;
	s24 =	sld [smem:$0x3FFE];
	[sflag:s23] =	ssyncadd.s32 $0xFFFFFFFF  }
0xab: {  	s26 =	simm.s32 $execute0_lowered;
	[smem:$0x3FD2] =	sst s25  }
0xac: {  	s5 =	sshll.u32 s26, $0x1;
	_ =	strace $0x80000046;
	[dreg:$0x1] =	wrdreg $0xFFFFFFFF  }
0xad: {  	s28 =	simm.s32 $_size_execute0_lowered;
	s3 =	sadd.s32 s3, s5;
	[dreg:$0x0] =	wrdreg $0x0  }
0xae: {  	s5 =	sshll.u32 s28, $0x1;
	[dreg:$0x2] =	wrdreg s3  }
0xaf: {  	[dreg:$0x3] =	wrdreg s5  }
0xb0: {  	[dreg:$0x4] =	wrdreg $0xC0  }
0xb1: {  	_ =	task [dreg:s7], $0x5FFFF  }
0xb2: {  	[dreg:$0x1] =	wrdreg $0xFFFFFFFF  }
0xb3: {  	[dreg:$0x0] =	wrdreg $0x60  }
0xb4: {  	[dreg:$0x2] =	wrdreg s24  }
0xb5: {  	[dreg:$0x3] =	wrdreg s16  }
0xb6: {  	[dreg:$0x4] =	wrdreg $0xF0A00  }
0xb7: {  	[dreg:$0x5] =	wrdreg $0x9  }
0xb8: {  	_ =	task.clear_ibuf [dreg:s7], $0x6FFFF;
	_ =	strace $0x90000046  }
0xb9: {  	s29 =	simm.s32 $0x9;
	_ =	strace $0x80000048  }
0xba: {  	_ =	swait.ge [sflag:s29], $0x1  }
0xbb: {  	[sflag:s29] =	ssyncadd.s32 $0xFFFFFFFF  }
0xbc: {  	_ =	strace $0x90000048  }
0xbd: {  	_ =	sfence  }
0xbe: {  	s30 =	sld [smem:$0x0];
	_ =	sdelay $0x2  }
0xbf: {  	s31 =	sshll.u32 s1, $0xD;
	s1 =	sshrl.u32 s1, $0x2  }
0xc0: {  	s3 =	sand.u32 $0x4000, s31;
	s1 =	sadd.s32 s1, s30  }
0xc1: {  	s0 =	sor.u32 s3, s0;
	s1 =	sshll.u32 s1, $0x11  }
0xc2: {  	s0 =	sor.u32 s1, s0  }
0xc3: {  	s0 =	sadd.s32 $0x8F2B, s0  }
0xc4: {  	[sflag:s0] =	ssyncadd.remote.s32 $0x1  }
0xc5: {  	_ =	sfence.sel $0xFFFF  }
0xc6: {  	[dreg:$0x0] =	wrdreg $0xFFFFFFFF;
	(pc) =	sbr.abs _section_cstart, $3  }
0xc7: {  	[dreg:$0x1] =	wrdreg $0xFFFFFFFF  }
0xc8: {  	_ =	task.clear_ibuf [dreg:s7], $0x2FFFF;
	_ =	strace $0x9FFFFFFF  }
0xc9: {  	(tm) =	ssettm $0x7FFFFFFF  }
tec
execute0_lowered:
.L_overlay_start_1:
0x0: {  	(tag) =	ssettag $0x1  }
0x1: {  	s0 =	rddreg [dreg:$0x0]  }
0x2: {  	s2 =	rddreg [dreg:$0x1]  }
0x3: {  	s1 =	rddreg [dreg:$0x2]  }
0x4: {  	s3 =	srdreg.scid;
	s14 =	stileid.u32  }
0x5: {  	s16 =	simm.s32 $0xB220;
	s17 =	simm.s32 $0x50;
	s18 =	simm.s32 $0x4E20  }
0x6: {  	s19 =	simm.s32 $0x6720;
	s20 =	simm.s32 $0xA0;
	s21 =	simm.s32 $0x8020  }
0x7: {  	s22 =	simm.s32 $0xF0;
	s23 =	simm.s32 $0x9920;
	s25 =	simm.s32 $0x0  }
0x8: {  	s5 =	sand.u32 $0x1, s3;
	s3 =	simm.s32 $0x0;
	s8 =	smul.u32 $0x13880, s14  }
0x9: {  	s7 =	sshll.u32 s14, $0x1;
	s4 =	sadd.s32 $0xA600, s0;
	s10 =	smul.u32 $0x4E200, s14  }
0xa: {  	p0 =	sgt.u32 s14, $0x9;
	s14 =	simm.s32 $0x5;
	s6 =	smul.u32 $0xC3500, s5  }
0xb: {  	[smem:$0x7FF] =	sst s3;
	s7 =	sor.u32 s5, s7;
	s5 =	ssub.s32 $0x2, s5  }
0xc: {  	_ =	strace $0x80000047;
	s7 =	smul.u32 $0x4E2, s7;
	s9 =	sshrl.u32 s5, $0x1  }
0xd: {  	s31 =	sshrl.u32 s10, $0x2;
	s6 =	sadd.s32 s8, s6;
	s9 =	ssub.s32 s5, s9  }
0xe: {  	s6 =	sshrl.u32 s6, $0x3;
	s11 =	sadd.s32 s7, s0;
	s9 =	smax.u32 s9, $0x1  }
0xf: {  	s0 =	sadd.s32 s6, s0;
	s5 =	sadd.s32 $0x800, s11;
	s6 =	sadd.s32 s2, s7  }
0x10: {  	s7 =	sadd.s32 $0x22E00, s0;
	s0 =	sadd.s32 s8, s1;
	s8 =	sadd.s32 s31, s1  }
0x11: {  	s2 =	sadd.s32 $0x3E80, s8;
	s11 =	sadd.s32 $0x7D00, s8;
	s12 =	sadd.s32 $0xBB80, s8  }
0x12: {  	v0 =	vimm.f32 $0.0e+00;
	s13 =	sadd.s32 $0xFA00, s8;
	s24 =	sshrl.u32 @!p0 s0, $0x3;
	[dreg:$0x4] =	wrdreg s2  }
.LBB2_1:
0x13: {  	[tilespmem:s3], [sflag:$0x5] =	stream.linear.gather [hbm4b:s5+s3], $0x2710, $0x38;
	[tilespmem:$0x1B3F0] =	vst v63  }
0x14: {  	_ =	swait.ge [sflag:s14], $0x2710  }
0x15: {  	[sflag:s14] =	ssyncset.done $0x0  }
.Ltmp0:
0x16: {  	s0 =	simm.s32 $0x2710;
	[sflag:s14] =	ssyncadd.s32 $0xFFFFD8F0;
	(pc) =	sbr.rel @p0 .LBB2_5-.Ltmp0, $4  }
0x17: {  	[tilespmem:s0], [sflag:$0x5] =	stream.linear.gather [hbm4b:s6+s3], $0x2710, $0x38;
	[tilespmem:$0x1B3F0] =	vst v63  }
0x18: {  	_ =	swait.ge [sflag:s14], $0x2710  }
0x19: {  	[sflag:s14] =	ssyncset.done $0x0  }
0x1a: {  	[sflag:s14] =	ssyncadd.s32 $0xFFFFD8F0  }
0x1b: {  	s2 =	simm.s32 $0x140;
	s0 =	simm.s32 $0x0  }
.LBB2_3:
0x1c: {  	p1 =	sne.s32 s2, $0xF8C0;
	[tilespmem:s0+$0xB260] =	vst v0;
	s10 =	smov.u32 s2;
	s2 =	sadd.s32 $0x140, s2  }
.Ltmp1:
0x1d: {  	[tilespmem:s0+$0xB250] =	vst v0;
	(pc) =	sbr.rel @p1 .LBB2_3-.Ltmp1, $4  }
0x1e: {  	[tilespmem:s0+$0xB240] =	vst v0  }
0x1f: {  	[tilespmem:s0+$0xB220] =	vst v0  }
0x20: {  	[tilespmem:s0+$0xB230] =	vst v0  }
0x21: {  	s0 =	sshra.s32 s10, $0x2  }
0x22: {  	[tilespmem:s0+$0xB260] =	vst v0  }
0x23: {  	[tilespmem:s0+$0xB250] =	vst v0  }
0x24: {  	[tilespmem:s0+$0xB240] =	vst v0  }
0x25: {  	[tilespmem:s0+$0xB220] =	vst v0  }
0x26: {  	[tilespmem:s0+$0xB230] =	vst v0  }
0x27: {  	[spmem:s8] =	stream.linear.scatter [tilespmem:s16], [sflag:$0x5], $0x3E80, $0x38;
	[tilespmem:$0x1B3F0] =	vst v63  }
0x28: {  	_ =	swait.ge [sflag:s14], $0x3E80  }
0x29: {  	[sflag:s14] =	ssyncset.done $0x0  }
0x2a: {  	s31 =	rddreg [dreg:$0x4];
	[sflag:s14] =	ssyncadd.s32 $0xFFFFC180  }
0x2b: {  	[spmem:s31] =	stream.linear.scatter [tilespmem:s16], [sflag:$0x5], $0x3E80, $0x38;
	[tilespmem:$0x1B3F0] =	vst v63  }
0x2c: {  	_ =	swait.ge [sflag:s14], $0x3E80  }
0x2d: {  	[sflag:s14] =	ssyncset.done $0x0  }
0x2e: {  	[sflag:s14] =	ssyncadd.s32 $0xFFFFC180  }
0x2f: {  	[spmem:s11] =	stream.linear.scatter [tilespmem:s16], [sflag:$0x5], $0x3E80, $0x38;
	[tilespmem:$0x1B3F0] =	vst v63  }
0x30: {  	_ =	swait.ge [sflag:s14], $0x3E80  }
0x31: {  	[sflag:s14] =	ssyncset.done $0x0  }
0x32: {  	[sflag:s14] =	ssyncadd.s32 $0xFFFFC180  }
0x33: {  	[spmem:s12] =	stream.linear.scatter [tilespmem:s16], [sflag:$0x5], $0x3E80, $0x38;
	[tilespmem:$0x1B3F0] =	vst v63  }
0x34: {  	_ =	swait.ge [sflag:s14], $0x3E80  }
0x35: {  	[sflag:s14] =	ssyncset.done $0x0  }
0x36: {  	[sflag:s14] =	ssyncadd.s32 $0xFFFFC180  }
0x37: {  	[spmem:s13] =	stream.linear.scatter [tilespmem:s16], [sflag:$0x5], $0x3E80, $0x38;
	[tilespmem:$0x1B3F0] =	vst v63  }
0x38: {  	_ =	swait.ge [sflag:s14], $0x3E80  }
0x39: {  	[sflag:s14] =	ssyncset.done $0x0  }
0x3a: {  	[sflag:s14] =	ssyncadd.s32 $0xFFFFC180  }
.LBB2_5:
0x3b: {  	[bflag:$0x0] =	sbarrier.arrive $0xFFFF;
	s0 =	simm.s32 $0x0  }
0x3c: {  	[tilespmem:s18], [sflag:$0x1] =	stream.indirect.gather [hbm4b:s4+s17], $0x50, s0, s17, $0xb8;
	[tilespmem:$0x1B3F0] =	vst v63  }
0x3d: {  	_ = 	snop  }
0x3e: {  	[tilespmem:s19], [sflag:$0x2] =	stream.indirect.gather [hbm4b:s4+s17], $0x50, s17, s17, $0xb8;
	[tilespmem:$0x1B3F0] =	vst v63  }
0x3f: {  	s0 =	sand.u32 $0x3, s0  }
0x40: {  	[tilespmem:s21], [sflag:$0x3] =	stream.indirect.gather [hbm4b:s4+s17], $0x50, s20, s17, $0xb8;
	[tilespmem:$0x1B3F0] =	vst v63  }
0x41: {  	s2 =	smul.u32 $0x6400, s0;
	s30 =	sadd.s32 $0x1, s0  }
0x42: {  	[tilespmem:s23], [sflag:$0x4] =	stream.indirect.gather [hbm4b:s4+s17], $0x50, s22, s17, $0xb8;
	[tilespmem:$0x1B3F0] =	vst v63  }
0x43: {  	s28 =	simm.s32 $0x140;
	_ =	swait.ge [sflag:s30], $0x1900  }
0x44: {  	s15 =	simm.s32 $0x2710;
	s2 =	sshrl.u32 s2, $0x2;
	[sflag:s30] =	ssyncset.done $0x0  }
0x45: {  	s26 =	simm.s32 $0x1;
	s10 =	sadd.s32 $0x4E20, s2;
	[sflag:s30] =	ssyncadd.s32 $0xFFFFE700  }
0x46: {  	[spmem:s1] =	stream.indirect.scatter.add.f32 [tilespmem:s10], [sflag:$0x5], $0x50, s15, s17, $0xb8;
	[tilespmem:$0x1B3F0] =	vst v63  }
0x47: {  	p2 =	por $0x0, $0x0;
	s31 =	simm.s32 $0x2760;
	_ =	swait.ge [sflag:s14], $0x1900  }
0x48: {  	s29 =	simm.s32 $0x190;
	s0 =	sand.u32 $0x3, s26;
	[sflag:s14] =	ssyncset.done $0x0  }
0x49: {  	s2 =	simm.s32 $0x2;
	s15 =	simm.s32 @!p2 $0x50;
	[sflag:s14] =	ssyncadd.s32 $0xFFFFE700  }
.LBB2_6:
0x4a: {  	[tilespmem:s10], [sflag:s30] =	stream.indirect.gather @!p2 [hbm4b:s4+s15], $0x50, s28, s15, $0xb8;
	[tilespmem:$0x1B3F0] =	vst v63  }
0x4b: {  	s15 =	smov.u32 s26;
	s26 =	smov.u32 s2;
	s28 =	smov.u32 s29  }
0x4c: {  	s10 =	smul.u32 $0x6400, s0;
	s30 =	sadd.s32 $0x1, s0;
	s0 =	sand.u32 $0x3, s2  }
0x4d: {  	s2 =	sadd.s32 $0x1, s2;
	_ =	swait.ge [sflag:s30], $0x1900  }
0x4e: {  	p1 =	sne.s32 s2, $0x7D;
	s10 =	sshrl.u32 s10, $0x2;
	[sflag:s30] =	ssyncset.done $0x0  }
.Ltmp2:
0x4f: {  	s10 =	sadd.s32 $0x4E20, s10;
	[sflag:s30] =	ssyncadd.s32 $0xFFFFE700;
	(pc) =	sbr.rel @p1 .LBB2_6-.Ltmp2, $4  }
0x50: {  	[spmem:s1] =	stream.indirect.scatter.add.f32 [tilespmem:s10], [sflag:$0x5], $0x50, s31, s17, $0xb8;
	[tilespmem:$0x1B3F0] =	vst v63  }
0x51: {  	_ =	swait.ge [sflag:s14], $0x1900  }
0x52: {  	p2 =	sgt.u32 s15, $0x78;
	s31 =	sadd.s32 $0x50, s31;
	[sflag:s14] =	ssyncset.done $0x0  }
0x53: {  	s29 =	sadd.s32 $0x50, s29;
	s15 =	simm.s32 @!p2 $0x50;
	[sflag:s14] =	ssyncadd.s32 $0xFFFFE700  }
0x54: {  	[tilespmem:s10], [sflag:s30] =	stream.indirect.gather @!p2 [hbm4b:s4+s15], $0x50, s28, s15, $0xb8;
	[tilespmem:$0x1B3F0] =	vst v63  }
0x55: {  	s2 =	smul.u32 $0x6400, s0;
	s0 =	sadd.s32 $0x1, s0  }
0x56: {  	_ =	swait.ge [sflag:s0], $0x1900  }
0x57: {  	s2 =	sshrl.u32 s2, $0x2;
	[sflag:s0] =	ssyncset.done $0x0  }
0x58: {  	s2 =	sadd.s32 $0x4E20, s2;
	[sflag:s0] =	ssyncadd.s32 $0xFFFFE700  }
0x59: {  	[spmem:s1] =	stream.indirect.scatter.add.f32 [tilespmem:s2], [sflag:$0x5], $0x50, s31, s17, $0xb8;
	[tilespmem:$0x1B3F0] =	vst v63  }
0x5a: {  	_ =	swait.ge [sflag:s14], $0x1900  }
0x5b: {  	p1 =	sgt.u32 s26, $0x78;
	[sflag:s14] =	ssyncset.done $0x0  }
0x5c: {  	s10 =	simm.s32 @!p1 $0x50;
	[sflag:s14] =	ssyncadd.s32 $0xFFFFE700  }
0x5d: {  	[tilespmem:s2], [sflag:s0] =	stream.indirect.gather @!p1 [hbm4b:s4+s10], $0x50, s29, s10, $0xb8;
	[tilespmem:$0x1B3F0] =	vst v63  }
0x5e: {  	s0 =	stileid.u32  }
0x5f: {  	s25 =	sadd.s32 $0x1, s25;
	s0 =	sshll.u32 @!p0 s0, $0x6  }
0x60: {  	p1 =	sne.s32 s25, s9;
	[bflag:$0x0] =	sbarrier.arrive $0xFFFF;
	s0 =	sor.u32 @!p0 $0x1C05, s0  }
0x61: {  	[hbm:s7], [sflag:s0] =	dma.local @!p0 [spmem:s24], $0x2710  }
.Ltmp3:
0x62: {  	_ = 	snop;
	(pc) =	sbr.rel @p1 .LBB2_1-.Ltmp3, $4  }
0x63: {  	s0 =	simm.s32 @!p0 $0x5  }
0x64: {  	_ =	swait.ge @!p0 [sflag:s0], $0x2710  }
0x65: {  	[sflag:s0] =	ssyncset.done @!p0 $0x0  }
0x66: {  	[sflag:s0] =	ssyncadd.s32 @!p0 $0xFFFFD8F0  }
0x67: {  	_ =	sfence.sel $0x180000  }
0x68: {  	[bflag:$0x0] =	sbarrier.arrive $0xFFFF  }
0x69: {  	_ =	strace $0x90000047  }
0x6a: {  	s0 =	stileid.u32;
	[bflag:$0x2] =	sbarrier.arrive $0xFFFF  }
0x6b: {  	p0 =	sne.s32 s0, $0x0;
	s0 =	rddreg [dreg:$0x3]  }
0x6c: {  	s0 =	sadd.s32 @!p0 $0x100000, s0  }
0x6d: {  	[sflag:s0] =	ssyncadd.tile.s32 @!p0 $0x1;
	_ =	shalt  }
.Lfunc_end2:
_tile_overlayer_lowered:
.L_overlay_start_2:
0x6e: {  	(tag) =	ssettag $0x2  }
0x6f: {  	s0 =	rddreg [dreg:$0x0];
	s2 =	stileid.u32  }
0x70: {  	s1 =	rddreg [dreg:$0x1];
	p0 =	sne.s32 s2, $0x0  }
0x71: {  	s3 =	rddreg [dreg:$0x2];
	[bflag:$0x3] =	sbarrier.arrive $0xFFFF;
	s2 =	simm.s32 @!p0 $0x1C05  }
0x72: {  	[timem:s3], [sflag:s2] =	dma.local @!p0 [hbm:s0], s1  }
0x73: {  	s0 =	simm.s32 @!p0 $0x5  }
0x74: {  	_ =	swait.ge @!p0 [sflag:s0], s1  }
0x75: {  	s1 =	ssub.s32 @!p0 $0x0, s1;
	[sflag:s0] =	ssyncset.done @!p0 $0x0  }
0x76: {  	[sflag:s0] =	ssyncadd.s32 @!p0 s1  }
0x77: {  	[bflag:$0x3] =	sbarrier.arrive $0xFFFF  }
0x78: {  	_ =	shalt  }

</sc_bundles>
